<compile_context>
chip_gen: v7x
topology: tpu7x:2x2x1
jax: 0.10.2.dev20260603
libtpu: 0.0.44.dev20260713+nightly
codegen_flags: <defaults>
</compile_context>

<pallas_src>
import functools

import jax
import jax.numpy as jnp
import numpy as np
from jax import lax
from jax.experimental import pallas as pl
from jax.experimental.pallas import tpu as pltpu
from jax.experimental.pallas import tpu_sc as plsc

_NNZ = 6400000
_SCALE = np.float32(1.0 / (1.0 - 0.2 + 1e-05))

_K1 = np.uint32(0)
_K2 = np.uint32(42)
_K3 = np.uint32(0x1BD11BDA) ^ _K1 ^ _K2

_THRESH = np.uint32(1677722 << 9)

_ROT0 = (13, 15, 26, 6)
_ROT1 = (17, 29, 16, 24)


def _rotl(x, d):
    return (x << np.uint32(d)) | (x >> np.uint32(32 - d))


def _threefry_bits(idx):
    x0 = jnp.zeros_like(idx) + _K1
    x1 = idx + _K2
    ks = (_K1, _K2, _K3)
    for r in range(5):
        rots = _ROT0 if r % 2 == 0 else _ROT1
        for d in rots:
            x0 = x0 + x1
            x1 = x0 ^ _rotl(x1, d)
        x0 = x0 + ks[(r + 1) % 3]
        x1 = x1 + ks[(r + 2) % 3] + np.uint32(r + 1)
    return x0 ^ x1


def _edge_drop_body(rows_per_blk, v_ref, o_ref):
    pid = pl.program_id(0)
    r = jax.lax.broadcasted_iota(jnp.uint32, (rows_per_blk, 128), 0)
    c = jax.lax.broadcasted_iota(jnp.uint32, (rows_per_blk, 128), 1)
    row0 = (pid * rows_per_blk).astype(jnp.uint32)
    idx = (row0 + r) * np.uint32(128) + c
    bits = _threefry_bits(idx)
    keep = bits >= _THRESH
    o_ref[...] = jnp.where(keep, v_ref[...] * _SCALE, jnp.float32(0.0))


_ICHUNK = 16000
_NCHUNK = _NNZ // _ICHUNK


def _sc_copy_body(i_hbm, o_hbm, buf):
    w = lax.axis_index("s") * 2 + lax.axis_index("c")
    start = w * 13 - jnp.maximum(w - 16, 0)
    n = 13 - (w >= 16).astype(jnp.int32)

    def body(i, carry):
        c0 = (start + i) * _ICHUNK
        pltpu.sync_copy(i_hbm.at[:, pl.ds(c0, _ICHUNK)], buf)
        pltpu.sync_copy(buf, o_hbm.at[:, pl.ds(c0, _ICHUNK)])
        return carry

    lax.fori_loop(0, n, body, 0)


def kernel(x_indices, x_values):
    rows = 50000
    rows_per_blk = 2000
    grid = rows // rows_per_blk
    v2d = x_values.reshape(rows, 128)

    sc_copy = pl.kernel(
        _sc_copy_body,
        out_type=jax.ShapeDtypeStruct((2, _NNZ), jnp.int32),
        mesh=plsc.VectorSubcoreMesh(core_axis_name="c", subcore_axis_name="s"),
        scratch_types=[pltpu.VMEM((2, _ICHUNK), jnp.int32)],
    )
    out_idx = sc_copy(x_indices)

    out = pl.pallas_call(
        functools.partial(_edge_drop_body, rows_per_blk),
        grid=(grid,),
        in_specs=[pl.BlockSpec((rows_per_blk, 128), lambda i: (i, 0))],
        out_specs=pl.BlockSpec((rows_per_blk, 128), lambda i: (i, 0)),
        out_shape=jax.ShapeDtypeStruct((rows, 128), jnp.float32),
    )(v2d)
    return out_idx, out.reshape(_NNZ)

# --- scband reference (transcript-rebuilt; emitter-appended) ---
"""Pipeline reference for scband-sparse-edge-drop-19739669692444 (READ-ONLY COPY).

The authoritative reference and input builder live on the scoring server;
editing this copy changes nothing except your own understanding.
"""

import jax, jax.numpy as jnp
import numpy as np

EDGE_DROP = 0.2
NNZ = 6400000
N_NODES = 100000


def setup_inputs(seed: int = 0) -> dict:
    key = jax.random.key(seed)
    k1, k2 = jax.random.split(key)
    indices = jax.random.randint(k1, (2, NNZ), 0, N_NODES, dtype=jnp.int32)
    values = jax.random.normal(k2, (NNZ,), dtype=jnp.float32)
    return {"x_indices": indices, "x_values": values}


def reference(x_indices, x_values):
    # Faithful translation of SparseEdgeDrop.forward on a COO sparse tensor
    # represented as (indices[2, nnz], values[nnz]).
    # torch: mask = (rand(nnz) + (1 - p)).floor().bool()  <=>  u >= p
    # Dropped entries are represented as explicit zeros so the output sparse
    # tensor keeps a static nnz (semantically equal sparse matrix).
    drop_key = jax.random.key(42)
    u = jax.random.uniform(drop_key, x_values.shape, dtype=jnp.float32)
    mask = jnp.floor(u + (1.0 - EDGE_DROP)).astype(bool)
    scale = 1.0 / (1.0 - EDGE_DROP + 1e-05)
    out_vals = jnp.where(mask, x_values * scale, jnp.zeros_like(x_values))
    return x_indices, out_vals

if __name__ == "__main__":
    import jax
    _d = setup_inputs()
    print(jax.jit(kernel)(*tuple(_d.values())))

</pallas_src>

<mosaic_0001>
#map = affine_map<(d0, d1) -> (0, 0)>
module attributes {stable_mosaic.version = 14 : i64} {
  func.func @_sc_copy_body(%arg0: i32, %arg1: i32, %arg2: memref<2x6400000xi32, #tpu.memory_space<hbm>>, %arg3: memref<2x6400000xi32, #tpu.memory_space<hbm>>, %arg4: memref<2x16000xi32, #tpu.memory_space<vmem>>) attributes {dimension_semantics = [#tpu.dimension_semantics<core_parallel>, #tpu.dimension_semantics<subcore_parallel>], iteration_bounds = array<i64: 2, 16>, scalar_prefetch = 0 : i64, scratch_operands = 1 : i64, tpu.core_type = #tpu.core_type<sc_vector_subcore>, window_params = [{transform_indices = #map}, {transform_indices = #map}]} {
    %mul3A = arith.constant 2 : i32
    %mul3A_0 = arith.muli %arg1, %mul3A : i32
    %add3A = arith.addi %mul3A_0, %arg0 : i32
    %mul3A_1 = arith.constant 13 : i32
    %mul3A_2 = arith.muli %add3A, %mul3A_1 : i32
    %sub3A = arith.constant 16 : i32
    %sub3A_3 = arith.subi %add3A, %sub3A : i32
    %max3A = arith.constant 0 : i32
    %max3A_4 = arith.maxsi %sub3A_3, %max3A : i32
    %sub3A_5 = arith.subi %mul3A_2, %max3A_4 : i32
    %ge3A = arith.constant 16 : i32
    %ge3A_6 = arith.cmpi sge, %add3A, %ge3A : i32
    %convert_element_type3A = arith.extui %ge3A_6 : i1 to i32
    %sub3A_7 = arith.constant 13 : i32
    %sub3A_8 = arith.subi %sub3A_7, %convert_element_type3A : i32
    %while3A = arith.constant 0 : i32
    %while3A_9 = arith.constant 0 : i32
    %while3A_10 = arith.subi %sub3A_8, %while3A_9 : i32
    %while3A_11 = arith.addi %while3A_9, %while3A_10 : i32
    %while3A_12 = arith.constant 1 : i32
    %while3A_13 = arith.divsi %while3A_10, %while3A_12 : i32
    %while3A_14 = arith.muli %while3A_13, %while3A_12 : i32
    %while3A_15 = arith.addi %while3A_9, %while3A_14 : i32
    %while3A_16 = arith.constant 1 : i32
    scf.for %while3A_18 = %while3A_9 to %while3A_15 step %while3A_16  : i32 {
      %add3A_19 = arith.addi %sub3A_5, %while3A_18 : i32
      %mul3A_20 = arith.constant 16000 : i32
      %mul3A_21 = arith.muli %add3A_19, %mul3A_20 : i32
      "tpu.region"() ({
        %run_scoped3A = tpu.sem_alloc : memref<!tpu.dma_semaphore, #tpu.memory_space<semaphore_mem>>
        %dma_start3A = arith.constant 0 : i32
        %dma_start3A_22 = tpu.memref_slice %arg2[%dma_start3A, %mul3A_21] : memref<2x6400000xi32, #tpu.memory_space<hbm>> -> memref<2x16000xi32, #tpu.memory_space<hbm>>
        %dma_start3A_23 = arith.constant 0 : i32
        %dma_start3A_24 = tpu.memref_slice %arg2[%dma_start3A_23, %mul3A_21] : memref<2x6400000xi32, #tpu.memory_space<hbm>> -> memref<2x16000xi32, #tpu.memory_space<hbm>>
        tpu.enqueue_dma source(%dma_start3A_24 : memref<2x16000xi32, #tpu.memory_space<hbm>>) target(%arg4 : memref<2x16000xi32, #tpu.memory_space<vmem>>) target_semaphore(%run_scoped3A : memref<!tpu.dma_semaphore, #tpu.memory_space<semaphore_mem>>)
        %dma_wait3A = arith.constant 0 : i32
        %dma_wait3A_25 = tpu.memref_slice %arg2[%dma_wait3A, %mul3A_21] : memref<2x6400000xi32, #tpu.memory_space<hbm>> -> memref<2x16000xi32, #tpu.memory_space<hbm>>
        %dma_wait3A_26 = arith.constant 0 : i32
        %dma_wait3A_27 = tpu.memref_slice %arg2[%dma_wait3A_26, %mul3A_21] : memref<2x6400000xi32, #tpu.memory_space<hbm>> -> memref<2x16000xi32, #tpu.memory_space<hbm>>
        tpu.wait_dma2 semaphore(%run_scoped3A : memref<!tpu.dma_semaphore, #tpu.memory_space<semaphore_mem>>) src(%dma_wait3A_27 : memref<2x16000xi32, #tpu.memory_space<hbm>>) dst(%arg4 : memref<2x16000xi32, #tpu.memory_space<vmem>>)
        tpu.yield
      }) : () -> ()
      "tpu.region"() ({
        %run_scoped3A = tpu.sem_alloc : memref<!tpu.dma_semaphore, #tpu.memory_space<semaphore_mem>>
        %dma_start3A = arith.constant 0 : i32
        %dma_start3A_22 = tpu.memref_slice %arg3[%dma_start3A, %mul3A_21] : memref<2x6400000xi32, #tpu.memory_space<hbm>> -> memref<2x16000xi32, #tpu.memory_space<hbm>>
        %dma_start3A_23 = arith.constant 0 : i32
        %dma_start3A_24 = tpu.memref_slice %arg3[%dma_start3A_23, %mul3A_21] : memref<2x6400000xi32, #tpu.memory_space<hbm>> -> memref<2x16000xi32, #tpu.memory_space<hbm>>
        tpu.enqueue_dma source(%arg4 : memref<2x16000xi32, #tpu.memory_space<vmem>>) target(%dma_start3A_24 : memref<2x16000xi32, #tpu.memory_space<hbm>>) target_semaphore(%run_scoped3A : memref<!tpu.dma_semaphore, #tpu.memory_space<semaphore_mem>>)
        %dma_wait3A = arith.constant 0 : i32
        %dma_wait3A_25 = tpu.memref_slice %arg3[%dma_wait3A, %mul3A_21] : memref<2x6400000xi32, #tpu.memory_space<hbm>> -> memref<2x16000xi32, #tpu.memory_space<hbm>>
        %dma_wait3A_26 = arith.constant 0 : i32
        %dma_wait3A_27 = tpu.memref_slice %arg3[%dma_wait3A_26, %mul3A_21] : memref<2x6400000xi32, #tpu.memory_space<hbm>> -> memref<2x16000xi32, #tpu.memory_space<hbm>>
        tpu.wait_dma2 semaphore(%run_scoped3A : memref<!tpu.dma_semaphore, #tpu.memory_space<semaphore_mem>>) src(%arg4 : memref<2x16000xi32, #tpu.memory_space<vmem>>) dst(%dma_wait3A_27 : memref<2x16000xi32, #tpu.memory_space<hbm>>)
        tpu.yield
      }) : () -> ()
    }
    %while3A_17 = arith.constant 1 : i32
    scf.for %while3A_18 = %while3A_15 to %while3A_11 step %while3A_17  : i32 {
      %add3A_19 = arith.addi %sub3A_5, %while3A_18 : i32
      %mul3A_20 = arith.constant 16000 : i32
      %mul3A_21 = arith.muli %add3A_19, %mul3A_20 : i32
      "tpu.region"() ({
        %run_scoped3A = tpu.sem_alloc : memref<!tpu.dma_semaphore, #tpu.memory_space<semaphore_mem>>
        %dma_start3A = arith.constant 0 : i32
        %dma_start3A_22 = tpu.memref_slice %arg2[%dma_start3A, %mul3A_21] : memref<2x6400000xi32, #tpu.memory_space<hbm>> -> memref<2x16000xi32, #tpu.memory_space<hbm>>
        %dma_start3A_23 = arith.constant 0 : i32
        %dma_start3A_24 = tpu.memref_slice %arg2[%dma_start3A_23, %mul3A_21] : memref<2x6400000xi32, #tpu.memory_space<hbm>> -> memref<2x16000xi32, #tpu.memory_space<hbm>>
        tpu.enqueue_dma source(%dma_start3A_24 : memref<2x16000xi32, #tpu.memory_space<hbm>>) target(%arg4 : memref<2x16000xi32, #tpu.memory_space<vmem>>) target_semaphore(%run_scoped3A : memref<!tpu.dma_semaphore, #tpu.memory_space<semaphore_mem>>)
        %dma_wait3A = arith.constant 0 : i32
        %dma_wait3A_25 = tpu.memref_slice %arg2[%dma_wait3A, %mul3A_21] : memref<2x6400000xi32, #tpu.memory_space<hbm>> -> memref<2x16000xi32, #tpu.memory_space<hbm>>
        %dma_wait3A_26 = arith.constant 0 : i32
        %dma_wait3A_27 = tpu.memref_slice %arg2[%dma_wait3A_26, %mul3A_21] : memref<2x6400000xi32, #tpu.memory_space<hbm>> -> memref<2x16000xi32, #tpu.memory_space<hbm>>
        tpu.wait_dma2 semaphore(%run_scoped3A : memref<!tpu.dma_semaphore, #tpu.memory_space<semaphore_mem>>) src(%dma_wait3A_27 : memref<2x16000xi32, #tpu.memory_space<hbm>>) dst(%arg4 : memref<2x16000xi32, #tpu.memory_space<vmem>>)
        tpu.yield
      }) : () -> ()
      "tpu.region"() ({
        %run_scoped3A = tpu.sem_alloc : memref<!tpu.dma_semaphore, #tpu.memory_space<semaphore_mem>>
        %dma_start3A = arith.constant 0 : i32
        %dma_start3A_22 = tpu.memref_slice %arg3[%dma_start3A, %mul3A_21] : memref<2x6400000xi32, #tpu.memory_space<hbm>> -> memref<2x16000xi32, #tpu.memory_space<hbm>>
        %dma_start3A_23 = arith.constant 0 : i32
        %dma_start3A_24 = tpu.memref_slice %arg3[%dma_start3A_23, %mul3A_21] : memref<2x6400000xi32, #tpu.memory_space<hbm>> -> memref<2x16000xi32, #tpu.memory_space<hbm>>
        tpu.enqueue_dma source(%arg4 : memref<2x16000xi32, #tpu.memory_space<vmem>>) target(%dma_start3A_24 : memref<2x16000xi32, #tpu.memory_space<hbm>>) target_semaphore(%run_scoped3A : memref<!tpu.dma_semaphore, #tpu.memory_space<semaphore_mem>>)
        %dma_wait3A = arith.constant 0 : i32
        %dma_wait3A_25 = tpu.memref_slice %arg3[%dma_wait3A, %mul3A_21] : memref<2x6400000xi32, #tpu.memory_space<hbm>> -> memref<2x16000xi32, #tpu.memory_space<hbm>>
        %dma_wait3A_26 = arith.constant 0 : i32
        %dma_wait3A_27 = tpu.memref_slice %arg3[%dma_wait3A_26, %mul3A_21] : memref<2x6400000xi32, #tpu.memory_space<hbm>> -> memref<2x16000xi32, #tpu.memory_space<hbm>>
        tpu.wait_dma2 semaphore(%run_scoped3A : memref<!tpu.dma_semaphore, #tpu.memory_space<semaphore_mem>>) src(%arg4 : memref<2x16000xi32, #tpu.memory_space<vmem>>) dst(%dma_wait3A_27 : memref<2x16000xi32, #tpu.memory_space<hbm>>)
        tpu.yield
      }) : () -> ()
    }
    return
  }
}

module attributes {stable_mosaic.version = 14 : i64} {
  func.func @_edge_drop_body(%arg0: i32, %arg1: memref<2000x128xf32, #tpu.memory_space<vmem>>, %arg2: memref<2000x128xf32, #tpu.memory_space<vmem>>) attributes {dimension_semantics = [#tpu.dimension_semantics<arbitrary>], iteration_bounds = array<i64: 25>, scalar_prefetch = 0 : i64, scratch_operands = 0 : i64, tpu.core_type = #tpu.core_type<tc>, window_params = [{transform_indices = @transform_0, window_bounds = array<i64: 2000, 128>}, {transform_indices = @transform_1, window_bounds = array<i64: 2000, 128>}]} {
    %iota3A = tpu.iota {dimensions = array<i32: 0>} : vector<2000x128xi32>
    %iota3A_0 = tpu.iota {dimensions = array<i32: 1>} : vector<2000x128xi32>
    %mul3A = arith.constant 2000 : i32
    %mul3A_1 = arith.muli %arg0, %mul3A : i32
    %add3A = vector.broadcast %mul3A_1 : i32 to vector<2000x128xi32>
    %add3A_2 = arith.addi %add3A, %iota3A : vector<2000x128xi32>
    %mul3A_3 = arith.constant 128 : i32
    %mul3A_4 = vector.broadcast %mul3A_3 : i32 to vector<2000x128xi32>
    %mul3A_5 = arith.muli %add3A_2, %mul3A_4 : vector<2000x128xi32>
    %add3A_6 = arith.addi %mul3A_5, %iota3A_0 : vector<2000x128xi32>
    %broadcast_in_dim3A = arith.constant 0 : i32
    %broadcast_in_dim3A_7 = vector.broadcast %broadcast_in_dim3A : i32 to vector<2000x128xi32>
    %add3A_8 = arith.constant 0 : i32
    %add3A_9 = vector.broadcast %add3A_8 : i32 to vector<2000x128xi32>
    %add3A_10 = arith.addi %broadcast_in_dim3A_7, %add3A_9 : vector<2000x128xi32>
    %add3A_11 = arith.constant 42 : i32
    %add3A_12 = vector.broadcast %add3A_11 : i32 to vector<2000x128xi32>
    %add3A_13 = arith.addi %add3A_6, %add3A_12 : vector<2000x128xi32>
    %add3A_14 = arith.addi %add3A_10, %add3A_13 : vector<2000x128xi32>
    %shift_left3A = arith.constant 13 : i32
    %shift_left3A_15 = vector.broadcast %shift_left3A : i32 to vector<2000x128xi32>
    %shift_left3A_16 = arith.shli %add3A_13, %shift_left3A_15 : vector<2000x128xi32>
    %shift_right_logical3A = arith.constant 19 : i32
    %shift_right_logical3A_17 = vector.broadcast %shift_right_logical3A : i32 to vector<2000x128xi32>
    %shift_right_logical3A_18 = arith.shrui %add3A_13, %shift_right_logical3A_17 : vector<2000x128xi32>
    %or3A = arith.ori %shift_left3A_16, %shift_right_logical3A_18 : vector<2000x128xi32>
    %xor3A = arith.xori %add3A_14, %or3A : vector<2000x128xi32>
    %add3A_19 = arith.addi %add3A_14, %xor3A : vector<2000x128xi32>
    %shift_left3A_20 = arith.constant 15 : i32
    %shift_left3A_21 = vector.broadcast %shift_left3A_20 : i32 to vector<2000x128xi32>
    %shift_left3A_22 = arith.shli %xor3A, %shift_left3A_21 : vector<2000x128xi32>
    %shift_right_logical3A_23 = arith.constant 17 : i32
    %shift_right_logical3A_24 = vector.broadcast %shift_right_logical3A_23 : i32 to vector<2000x128xi32>
    %shift_right_logical3A_25 = arith.shrui %xor3A, %shift_right_logical3A_24 : vector<2000x128xi32>
    %or3A_26 = arith.ori %shift_left3A_22, %shift_right_logical3A_25 : vector<2000x128xi32>
    %xor3A_27 = arith.xori %add3A_19, %or3A_26 : vector<2000x128xi32>
    %add3A_28 = arith.addi %add3A_19, %xor3A_27 : vector<2000x128xi32>
    %shift_left3A_29 = arith.constant 26 : i32
    %shift_left3A_30 = vector.broadcast %shift_left3A_29 : i32 to vector<2000x128xi32>
    %shift_left3A_31 = arith.shli %xor3A_27, %shift_left3A_30 : vector<2000x128xi32>
    %shift_right_logical3A_32 = arith.constant 6 : i32
    %shift_right_logical3A_33 = vector.broadcast %shift_right_logical3A_32 : i32 to vector<2000x128xi32>
    %shift_right_logical3A_34 = arith.shrui %xor3A_27, %shift_right_logical3A_33 : vector<2000x128xi32>
    %or3A_35 = arith.ori %shift_left3A_31, %shift_right_logical3A_34 : vector<2000x128xi32>
    %xor3A_36 = arith.xori %add3A_28, %or3A_35 : vector<2000x128xi32>
    %add3A_37 = arith.addi %add3A_28, %xor3A_36 : vector<2000x128xi32>
    %shift_left3A_38 = arith.constant 6 : i32
    %shift_left3A_39 = vector.broadcast %shift_left3A_38 : i32 to vector<2000x128xi32>
    %shift_left3A_40 = arith.shli %xor3A_36, %shift_left3A_39 : vector<2000x128xi32>
    %shift_right_logical3A_41 = arith.constant 26 : i32
    %shift_right_logical3A_42 = vector.broadcast %shift_right_logical3A_41 : i32 to vector<2000x128xi32>
    %shift_right_logical3A_43 = arith.shrui %xor3A_36, %shift_right_logical3A_42 : vector<2000x128xi32>
    %or3A_44 = arith.ori %shift_left3A_40, %shift_right_logical3A_43 : vector<2000x128xi32>
    %xor3A_45 = arith.xori %add3A_37, %or3A_44 : vector<2000x128xi32>
    %add3A_46 = arith.constant 42 : i32
    %add3A_47 = vector.broadcast %add3A_46 : i32 to vector<2000x128xi32>
    %add3A_48 = arith.addi %add3A_37, %add3A_47 : vector<2000x128xi32>
    %add3A_49 = arith.constant 466689008 : i32
    %add3A_50 = vector.broadcast %add3A_49 : i32 to vector<2000x128xi32>
    %add3A_51 = arith.addi %xor3A_45, %add3A_50 : vector<2000x128xi32>
    %add3A_52 = arith.constant 1 : i32
    %add3A_53 = vector.broadcast %add3A_52 : i32 to vector<2000x128xi32>
    %add3A_54 = arith.addi %add3A_51, %add3A_53 : vector<2000x128xi32>
    %add3A_55 = arith.addi %add3A_48, %add3A_54 : vector<2000x128xi32>
    %shift_left3A_56 = arith.constant 17 : i32
    %shift_left3A_57 = vector.broadcast %shift_left3A_56 : i32 to vector<2000x128xi32>
    %shift_left3A_58 = arith.shli %add3A_54, %shift_left3A_57 : vector<2000x128xi32>
    %shift_right_logical3A_59 = arith.constant 15 : i32
    %shift_right_logical3A_60 = vector.broadcast %shift_right_logical3A_59 : i32 to vector<2000x128xi32>
    %shift_right_logical3A_61 = arith.shrui %add3A_54, %shift_right_logical3A_60 : vector<2000x128xi32>
    %or3A_62 = arith.ori %shift_left3A_58, %shift_right_logical3A_61 : vector<2000x128xi32>
    %xor3A_63 = arith.xori %add3A_55, %or3A_62 : vector<2000x128xi32>
    %add3A_64 = arith.addi %add3A_55, %xor3A_63 : vector<2000x128xi32>
    %shift_left3A_65 = arith.constant 29 : i32
    %shift_left3A_66 = vector.broadcast %shift_left3A_65 : i32 to vector<2000x128xi32>
    %shift_left3A_67 = arith.shli %xor3A_63, %shift_left3A_66 : vector<2000x128xi32>
    %shift_right_logical3A_68 = arith.constant 3 : i32
    %shift_right_logical3A_69 = vector.broadcast %shift_right_logical3A_68 : i32 to vector<2000x128xi32>
    %shift_right_logical3A_70 = arith.shrui %xor3A_63, %shift_right_logical3A_69 : vector<2000x128xi32>
    %or3A_71 = arith.ori %shift_left3A_67, %shift_right_logical3A_70 : vector<2000x128xi32>
    %xor3A_72 = arith.xori %add3A_64, %or3A_71 : vector<2000x128xi32>
    %add3A_73 = arith.addi %add3A_64, %xor3A_72 : vector<2000x128xi32>
    %shift_left3A_74 = arith.constant 16 : i32
    %shift_left3A_75 = vector.broadcast %shift_left3A_74 : i32 to vector<2000x128xi32>
    %shift_left3A_76 = arith.shli %xor3A_72, %shift_left3A_75 : vector<2000x128xi32>
    %shift_right_logical3A_77 = arith.constant 16 : i32
    %shift_right_logical3A_78 = vector.broadcast %shift_right_logical3A_77 : i32 to vector<2000x128xi32>
    %shift_right_logical3A_79 = arith.shrui %xor3A_72, %shift_right_logical3A_78 : vector<2000x128xi32>
    %or3A_80 = arith.ori %shift_left3A_76, %shift_right_logical3A_79 : vector<2000x128xi32>
    %xor3A_81 = arith.xori %add3A_73, %or3A_80 : vector<2000x128xi32>
    %add3A_82 = arith.addi %add3A_73, %xor3A_81 : vector<2000x128xi32>
    %shift_left3A_83 = arith.constant 24 : i32
    %shift_left3A_84 = vector.broadcast %shift_left3A_83 : i32 to vector<2000x128xi32>
    %shift_left3A_85 = arith.shli %xor3A_81, %shift_left3A_84 : vector<2000x128xi32>
    %shift_right_logical3A_86 = arith.constant 8 : i32
    %shift_right_logical3A_87 = vector.broadcast %shift_right_logical3A_86 : i32 to vector<2000x128xi32>
    %shift_right_logical3A_88 = arith.shrui %xor3A_81, %shift_right_logical3A_87 : vector<2000x128xi32>
    %or3A_89 = arith.ori %shift_left3A_85, %shift_right_logical3A_88 : vector<2000x128xi32>
    %xor3A_90 = arith.xori %add3A_82, %or3A_89 : vector<2000x128xi32>
    %add3A_91 = arith.constant 466689008 : i32
    %add3A_92 = vector.broadcast %add3A_91 : i32 to vector<2000x128xi32>
    %add3A_93 = arith.addi %add3A_82, %add3A_92 : vector<2000x128xi32>
    %add3A_94 = arith.constant 0 : i32
    %add3A_95 = vector.broadcast %add3A_94 : i32 to vector<2000x128xi32>
    %add3A_96 = arith.addi %xor3A_90, %add3A_95 : vector<2000x128xi32>
    %add3A_97 = arith.constant 2 : i32
    %add3A_98 = vector.broadcast %add3A_97 : i32 to vector<2000x128xi32>
    %add3A_99 = arith.addi %add3A_96, %add3A_98 : vector<2000x128xi32>
    %add3A_100 = arith.addi %add3A_93, %add3A_99 : vector<2000x128xi32>
    %shift_left3A_101 = arith.constant 13 : i32
    %shift_left3A_102 = vector.broadcast %shift_left3A_101 : i32 to vector<2000x128xi32>
    %shift_left3A_103 = arith.shli %add3A_99, %shift_left3A_102 : vector<2000x128xi32>
    %shift_right_logical3A_104 = arith.constant 19 : i32
    %shift_right_logical3A_105 = vector.broadcast %shift_right_logical3A_104 : i32 to vector<2000x128xi32>
    %shift_right_logical3A_106 = arith.shrui %add3A_99, %shift_right_logical3A_105 : vector<2000x128xi32>
    %or3A_107 = arith.ori %shift_left3A_103, %shift_right_logical3A_106 : vector<2000x128xi32>
    %xor3A_108 = arith.xori %add3A_100, %or3A_107 : vector<2000x128xi32>
    %add3A_109 = arith.addi %add3A_100, %xor3A_108 : vector<2000x128xi32>
    %shift_left3A_110 = arith.constant 15 : i32
    %shift_left3A_111 = vector.broadcast %shift_left3A_110 : i32 to vector<2000x128xi32>
    %shift_left3A_112 = arith.shli %xor3A_108, %shift_left3A_111 : vector<2000x128xi32>
    %shift_right_logical3A_113 = arith.constant 17 : i32
    %shift_right_logical3A_114 = vector.broadcast %shift_right_logical3A_113 : i32 to vector<2000x128xi32>
    %shift_right_logical3A_115 = arith.shrui %xor3A_108, %shift_right_logical3A_114 : vector<2000x128xi32>
    %or3A_116 = arith.ori %shift_left3A_112, %shift_right_logical3A_115 : vector<2000x128xi32>
    %xor3A_117 = arith.xori %add3A_109, %or3A_116 : vector<2000x128xi32>
    %add3A_118 = arith.addi %add3A_109, %xor3A_117 : vector<2000x128xi32>
    %shift_left3A_119 = arith.constant 26 : i32
    %shift_left3A_120 = vector.broadcast %shift_left3A_119 : i32 to vector<2000x128xi32>
    %shift_left3A_121 = arith.shli %xor3A_117, %shift_left3A_120 : vector<2000x128xi32>
    %shift_right_logical3A_122 = arith.constant 6 : i32
    %shift_right_logical3A_123 = vector.broadcast %shift_right_logical3A_122 : i32 to vector<2000x128xi32>
    %shift_right_logical3A_124 = arith.shrui %xor3A_117, %shift_right_logical3A_123 : vector<2000x128xi32>
    %or3A_125 = arith.ori %shift_left3A_121, %shift_right_logical3A_124 : vector<2000x128xi32>
    %xor3A_126 = arith.xori %add3A_118, %or3A_125 : vector<2000x128xi32>
    %add3A_127 = arith.addi %add3A_118, %xor3A_126 : vector<2000x128xi32>
    %shift_left3A_128 = arith.constant 6 : i32
    %shift_left3A_129 = vector.broadcast %shift_left3A_128 : i32 to vector<2000x128xi32>
    %shift_left3A_130 = arith.shli %xor3A_126, %shift_left3A_129 : vector<2000x128xi32>
    %shift_right_logical3A_131 = arith.constant 26 : i32
    %shift_right_logical3A_132 = vector.broadcast %shift_right_logical3A_131 : i32 to vector<2000x128xi32>
    %shift_right_logical3A_133 = arith.shrui %xor3A_126, %shift_right_logical3A_132 : vector<2000x128xi32>
    %or3A_134 = arith.ori %shift_left3A_130, %shift_right_logical3A_133 : vector<2000x128xi32>
    %xor3A_135 = arith.xori %add3A_127, %or3A_134 : vector<2000x128xi32>
    %add3A_136 = arith.constant 0 : i32
    %add3A_137 = vector.broadcast %add3A_136 : i32 to vector<2000x128xi32>
    %add3A_138 = arith.addi %add3A_127, %add3A_137 : vector<2000x128xi32>
    %add3A_139 = arith.constant 42 : i32
    %add3A_140 = vector.broadcast %add3A_139 : i32 to vector<2000x128xi32>
    %add3A_141 = arith.addi %xor3A_135, %add3A_140 : vector<2000x128xi32>
    %add3A_142 = arith.constant 3 : i32
    %add3A_143 = vector.broadcast %add3A_142 : i32 to vector<2000x128xi32>
    %add3A_144 = arith.addi %add3A_141, %add3A_143 : vector<2000x128xi32>
    %add3A_145 = arith.addi %add3A_138, %add3A_144 : vector<2000x128xi32>
    %shift_left3A_146 = arith.constant 17 : i32
    %shift_left3A_147 = vector.broadcast %shift_left3A_146 : i32 to vector<2000x128xi32>
    %shift_left3A_148 = arith.shli %add3A_144, %shift_left3A_147 : vector<2000x128xi32>
    %shift_right_logical3A_149 = arith.constant 15 : i32
    %shift_right_logical3A_150 = vector.broadcast %shift_right_logical3A_149 : i32 to vector<2000x128xi32>
    %shift_right_logical3A_151 = arith.shrui %add3A_144, %shift_right_logical3A_150 : vector<2000x128xi32>
    %or3A_152 = arith.ori %shift_left3A_148, %shift_right_logical3A_151 : vector<2000x128xi32>
    %xor3A_153 = arith.xori %add3A_145, %or3A_152 : vector<2000x128xi32>
    %add3A_154 = arith.addi %add3A_145, %xor3A_153 : vector<2000x128xi32>
    %shift_left3A_155 = arith.constant 29 : i32
    %shift_left3A_156 = vector.broadcast %shift_left3A_155 : i32 to vector<2000x128xi32>
    %shift_left3A_157 = arith.shli %xor3A_153, %shift_left3A_156 : vector<2000x128xi32>
    %shift_right_logical3A_158 = arith.constant 3 : i32
    %shift_right_logical3A_159 = vector.broadcast %shift_right_logical3A_158 : i32 to vector<2000x128xi32>
    %shift_right_logical3A_160 = arith.shrui %xor3A_153, %shift_right_logical3A_159 : vector<2000x128xi32>
    %or3A_161 = arith.ori %shift_left3A_157, %shift_right_logical3A_160 : vector<2000x128xi32>
    %xor3A_162 = arith.xori %add3A_154, %or3A_161 : vector<2000x128xi32>
    %add3A_163 = arith.addi %add3A_154, %xor3A_162 : vector<2000x128xi32>
    %shift_left3A_164 = arith.constant 16 : i32
    %shift_left3A_165 = vector.broadcast %shift_left3A_164 : i32 to vector<2000x128xi32>
    %shift_left3A_166 = arith.shli %xor3A_162, %shift_left3A_165 : vector<2000x128xi32>
    %shift_right_logical3A_167 = arith.constant 16 : i32
    %shift_right_logical3A_168 = vector.broadcast %shift_right_logical3A_167 : i32 to vector<2000x128xi32>
    %shift_right_logical3A_169 = arith.shrui %xor3A_162, %shift_right_logical3A_168 : vector<2000x128xi32>
    %or3A_170 = arith.ori %shift_left3A_166, %shift_right_logical3A_169 : vector<2000x128xi32>
    %xor3A_171 = arith.xori %add3A_163, %or3A_170 : vector<2000x128xi32>
    %add3A_172 = arith.addi %add3A_163, %xor3A_171 : vector<2000x128xi32>
    %shift_left3A_173 = arith.constant 24 : i32
    %shift_left3A_174 = vector.broadcast %shift_left3A_173 : i32 to vector<2000x128xi32>
    %shift_left3A_175 = arith.shli %xor3A_171, %shift_left3A_174 : vector<2000x128xi32>
    %shift_right_logical3A_176 = arith.constant 8 : i32
    %shift_right_logical3A_177 = vector.broadcast %shift_right_logical3A_176 : i32 to vector<2000x128xi32>
    %shift_right_logical3A_178 = arith.shrui %xor3A_171, %shift_right_logical3A_177 : vector<2000x128xi32>
    %or3A_179 = arith.ori %shift_left3A_175, %shift_right_logical3A_178 : vector<2000x128xi32>
    %xor3A_180 = arith.xori %add3A_172, %or3A_179 : vector<2000x128xi32>
    %add3A_181 = arith.constant 42 : i32
    %add3A_182 = vector.broadcast %add3A_181 : i32 to vector<2000x128xi32>
    %add3A_183 = arith.addi %add3A_172, %add3A_182 : vector<2000x128xi32>
    %add3A_184 = arith.constant 466689008 : i32
    %add3A_185 = vector.broadcast %add3A_184 : i32 to vector<2000x128xi32>
    %add3A_186 = arith.addi %xor3A_180, %add3A_185 : vector<2000x128xi32>
    %add3A_187 = arith.constant 4 : i32
    %add3A_188 = vector.broadcast %add3A_187 : i32 to vector<2000x128xi32>
    %add3A_189 = arith.addi %add3A_186, %add3A_188 : vector<2000x128xi32>
    %add3A_190 = arith.addi %add3A_183, %add3A_189 : vector<2000x128xi32>
    %shift_left3A_191 = arith.constant 13 : i32
    %shift_left3A_192 = vector.broadcast %shift_left3A_191 : i32 to vector<2000x128xi32>
    %shift_left3A_193 = arith.shli %add3A_189, %shift_left3A_192 : vector<2000x128xi32>
    %shift_right_logical3A_194 = arith.constant 19 : i32
    %shift_right_logical3A_195 = vector.broadcast %shift_right_logical3A_194 : i32 to vector<2000x128xi32>
    %shift_right_logical3A_196 = arith.shrui %add3A_189, %shift_right_logical3A_195 : vector<2000x128xi32>
    %or3A_197 = arith.ori %shift_left3A_193, %shift_right_logical3A_196 : vector<2000x128xi32>
    %xor3A_198 = arith.xori %add3A_190, %or3A_197 : vector<2000x128xi32>
    %add3A_199 = arith.addi %add3A_190, %xor3A_198 : vector<2000x128xi32>
    %shift_left3A_200 = arith.constant 15 : i32
    %shift_left3A_201 = vector.broadcast %shift_left3A_200 : i32 to vector<2000x128xi32>
    %shift_left3A_202 = arith.shli %xor3A_198, %shift_left3A_201 : vector<2000x128xi32>
    %shift_right_logical3A_203 = arith.constant 17 : i32
    %shift_right_logical3A_204 = vector.broadcast %shift_right_logical3A_203 : i32 to vector<2000x128xi32>
    %shift_right_logical3A_205 = arith.shrui %xor3A_198, %shift_right_logical3A_204 : vector<2000x128xi32>
    %or3A_206 = arith.ori %shift_left3A_202, %shift_right_logical3A_205 : vector<2000x128xi32>
    %xor3A_207 = arith.xori %add3A_199, %or3A_206 : vector<2000x128xi32>
    %add3A_208 = arith.addi %add3A_199, %xor3A_207 : vector<2000x128xi32>
    %shift_left3A_209 = arith.constant 26 : i32
    %shift_left3A_210 = vector.broadcast %shift_left3A_209 : i32 to vector<2000x128xi32>
    %shift_left3A_211 = arith.shli %xor3A_207, %shift_left3A_210 : vector<2000x128xi32>
    %shift_right_logical3A_212 = arith.constant 6 : i32
    %shift_right_logical3A_213 = vector.broadcast %shift_right_logical3A_212 : i32 to vector<2000x128xi32>
    %shift_right_logical3A_214 = arith.shrui %xor3A_207, %shift_right_logical3A_213 : vector<2000x128xi32>
    %or3A_215 = arith.ori %shift_left3A_211, %shift_right_logical3A_214 : vector<2000x128xi32>
    %xor3A_216 = arith.xori %add3A_208, %or3A_215 : vector<2000x128xi32>
    %add3A_217 = arith.addi %add3A_208, %xor3A_216 : vector<2000x128xi32>
    %shift_left3A_218 = arith.constant 6 : i32
    %shift_left3A_219 = vector.broadcast %shift_left3A_218 : i32 to vector<2000x128xi32>
    %shift_left3A_220 = arith.shli %xor3A_216, %shift_left3A_219 : vector<2000x128xi32>
    %shift_right_logical3A_221 = arith.constant 26 : i32
    %shift_right_logical3A_222 = vector.broadcast %shift_right_logical3A_221 : i32 to vector<2000x128xi32>
    %shift_right_logical3A_223 = arith.shrui %xor3A_216, %shift_right_logical3A_222 : vector<2000x128xi32>
    %or3A_224 = arith.ori %shift_left3A_220, %shift_right_logical3A_223 : vector<2000x128xi32>
    %xor3A_225 = arith.xori %add3A_217, %or3A_224 : vector<2000x128xi32>
    %add3A_226 = arith.constant 466689008 : i32
    %add3A_227 = vector.broadcast %add3A_226 : i32 to vector<2000x128xi32>
    %add3A_228 = arith.addi %add3A_217, %add3A_227 : vector<2000x128xi32>
    %add3A_229 = arith.constant 0 : i32
    %add3A_230 = vector.broadcast %add3A_229 : i32 to vector<2000x128xi32>
    %add3A_231 = arith.addi %xor3A_225, %add3A_230 : vector<2000x128xi32>
    %add3A_232 = arith.constant 5 : i32
    %add3A_233 = vector.broadcast %add3A_232 : i32 to vector<2000x128xi32>
    %add3A_234 = arith.addi %add3A_231, %add3A_233 : vector<2000x128xi32>
    %xor3A_235 = arith.xori %add3A_228, %add3A_234 : vector<2000x128xi32>
    %ge3A = arith.constant 858993664 : i32
    %ge3A_236 = vector.broadcast %ge3A : i32 to vector<2000x128xi32>
    %ge3A_237 = arith.cmpi uge, %xor3A_235, %ge3A_236 : vector<2000x128xi32>
    %get3A = arith.constant 0 : index
    %get3A_238 = arith.constant 0 : index
    %get3A_239 = vector.load %arg1[%get3A, %get3A_238] : memref<2000x128xf32, #tpu.memory_space<vmem>>, vector<2000x128xf32>
    %mul3A_240 = arith.constant 1.24998438 : f32
    %mul3A_241 = vector.broadcast %mul3A_240 : f32 to vector<2000x128xf32>
    %mul3A_242 = arith.mulf %get3A_239, %mul3A_241 : vector<2000x128xf32>
    %jit3A = arith.constant 0.000000e+00 : f32
    %broadcast_in_dim3A_243 = vector.broadcast %jit3A : f32 to vector<2000x128xf32>
    %select_n3A = arith.select %ge3A_237, %mul3A_242, %broadcast_in_dim3A_243 : vector<2000x128xi1>, vector<2000x128xf32>
    %swap3A = arith.constant 0 : index
    %swap3A_244 = arith.constant 0 : index
    %swap3A_245 = vector.load %arg2[%swap3A, %swap3A_244] : memref<2000x128xf32, #tpu.memory_space<vmem>>, vector<2000x128xf32>
    tpu.vector_store %arg2[%swap3A, %swap3A_244], %select_n3A {strides = array<i32>} : memref<2000x128xf32, #tpu.memory_space<vmem>>, vector<2000x128xf32>,
    return
  }
  func.func @transform_0(%arg0: i32) -> (i32, i32) {
    %c0_i32 = arith.constant 0 : i32
    %c0_i32_0 = arith.constant 0 : i32
    return %arg0, %c0_i32 : i32, i32
  }
  func.func @transform_1(%arg0: i32) -> (i32, i32) {
    %c0_i32 = arith.constant 0 : i32
    %c0_i32_0 = arith.constant 0 : i32
    return %arg0, %c0_i32 : i32, i32
  }
}

</mosaic_0001>

<sc_bundles>
// kernel: kernel.4.cloned.1.call-start
scs
__scs_entry_jumppad:
0x0: {  	(pc) =	sbr.rel $0x88, $3  }
0x1: {  	(tag) =	ssettag $0x0;
	lr =	simm.s32 $0x1  }
0x2: {  	[smem:$0x3F9F] =	sst lr;
	_ =	strace $0xD0000000  }
0x3: {  	_ = 	snop  }
0x4: {  	_ = 	snop  }
0x5: {  	_ = 	snop  }
0x6: {  	_ = 	snop  }
0x7: {  	_ = 	snop  }
__scs_overlays_trampoline_lowered:
0x8: {  	[smem:$0x3FAE] =	sst s0  }
0x9: {  	[smem:$0x3FAF] =	sst s1  }
0xa: {  	[smem:$0x3FB0] =	sst s2  }
0xb: {  	[smem:$0x3FB1] =	sst s3  }
0xc: {  	[smem:$0x3FB2] =	sst s4  }
0xd: {  	[smem:$0x3FB3] =	sst s5  }
0xe: {  	[smem:$0x3FB4] =	sst s6  }
0xf: {  	[smem:$0x3FB5] =	sst s7  }
0x10: {  	[smem:$0x3FB6] =	sst s8  }
0x11: {  	[smem:$0x3FB7] =	sst s9;
	s0 =	simm.s32 @!p0 $0x0  }
0x12: {  	s1 =	sld [smem:$0x3F9D];
	s0 =	simm.s32 @p0 $0x1  }
0x13: {  	[smem:$0x3FB8] =	sst s0;
	s0 =	simm.s32 @!p1 $0x0  }
0x14: {  	s2 =	sld [smem:$0x3F9C];
	s0 =	simm.s32 @p1 $0x1  }
0x15: {  	[smem:$0x3FB9] =	sst s0;
	s0 =	simm.s32 @!p2 $0x0  }
0x16: {  	s3 =	sld [smem:$0x3FDB];
	s0 =	simm.s32 @p2 $0x1  }
0x17: {  	s4 =	simm.s32 $0x1BF5;
	[smem:$0x3FBB] =	sst s0  }
0x18: {  	s0 =	sld [smem:$0x3F9E];
	_ =	swait.ge [sflag:s4], $0x0  }
0x19: {  	s7 =	sld [smem:$0x3F9F]  }
0x1a: {  	s8 =	sadd.s32 $0xFFFFE003, lr  }
0x1b: {  	s9 =	sadd.s32 $0xFFFFFEF7, lr;
	s5 =	simm.s32 $0xFFFFFFFF;
	p2 =	slt.u32 s8, $0xFFFFF086  }
0x1c: {  	p1 =	slt.u32 s9, $0xF7A;
	s5 =	simm.s32 @!p2 $0x0  }
0x1d: {  	s5 =	simm.s32 @p1 $0x1;
	p0 =	seq.s32 s7, s2  }
0x1e: {  	s7 =	smul.u32 @!p0 $0xF7A, s2;
	p2 =	seq.s32 @!p0 s5, $0x0  }
0x1f: {  	s9 =	smul.u32 $0xF7A, s1;
	s8 =	simm.s32 @!p0 $0x1BF5;
	p2 =	por !p2, p0  }
0x20: {  	[sflag:s8] =	ssyncset.s32 @!p0 $0xFFFFF086;
	s6 =	sadd.s32 @!p0 s3, s7;
	s7 =	simm.s32 @!p0 $0x108  }
0x21: {  	s3 =	sadd.s32 s3, s9;
	s6 =	sadd.s32 @!p0 $0x88, s6;
	s7 =	simm.s32 @p2 $0x1082  }
0x22: {  	[simem:s7], [sflag:s8] =	dma.local @!p0 [hbm:s6], $0xF7A  }
0x23: {  	s9 =	sor.u32 $0xD0000000, s2;
	s6 =	simm.s32 $0x108;
	_ =	swait.ge @!p0 [sflag:s8], $0x0  }
0x24: {  	s3 =	sadd.s32 $0x88, s3;
	s6 =	simm.s32 @!p1 $0x1082;
	[sflag:s4] =	ssyncset.s32 $0xFFFFF086  }
0x25: {  	[simem:s6], [sflag:s4] =	dma.local [hbm:s3], $0xF7A  }
0x26: {  	[smem:$0x3F9F] =	sst s1;
	(tag) =	ssettag s2;
	_ =	strace s9  }
0x27: {  	s1 =	sld [smem:$0x3FAF]  }
0x28: {  	s2 =	sld [smem:$0x3FB0]  }
0x29: {  	s4 =	sld [smem:$0x3FB2]  }
0x2a: {  	p0 =	seq.s32 s5, $0x0;
	s5 =	sld [smem:$0x3FB3]  }
0x2b: {  	s6 =	sld [smem:$0x3FB4]  }
0x2c: {  	s7 =	sld [smem:$0x3FB5]  }
0x2d: {  	s3 =	simm.s32 $0x108;
	s8 =	sld [smem:$0x3FB6]  }
0x2e: {  	s3 =	simm.s32 @!p0 $0x1082;
	s9 =	sld [smem:$0x3FB7]  }
0x2f: {  	lr =	sadd.s32 s0, s3;
	s0 =	sld [smem:$0x3FAE]  }
0x30: {  	s3 =	sld [smem:$0x3FB1]  }
0x31: {  	[smem:$0x3FBA] =	sst s10  }
0x32: {  	s10 =	sld [smem:$0x3FB8];
	_ =	sdelay $0x3  }
0x33: {  	p0 =	seq.s32 s10, $0x1;
	s10 =	sld [smem:$0x3FBA];
	_ =	sdelay $0x3  }
0x34: {  	[smem:$0x3FBA] =	sst s10  }
0x35: {  	s10 =	sld [smem:$0x3FB9];
	_ =	sdelay $0x3  }
0x36: {  	p1 =	seq.s32 s10, $0x1;
	s10 =	sld [smem:$0x3FBA];
	_ =	sdelay $0x3  }
0x37: {  	[smem:$0x3FBA] =	sst s10  }
0x38: {  	s10 =	sld [smem:$0x3FBB]  }
0x39: {  	_ = 	snop;
	(pc) =	sbr.ind lr, $3  }
0x3a: {  	_ = 	snop  }
0x3b: {  	_ = 	snop  }
0x3c: {  	p2 =	seq.s32 s10, $0x1;
	s10 =	sld [smem:$0x3FBA]  }
0x3d: {  	_ =	shalt  }
0x3e: {  	_ =	shalt  }
0x3f: {  	_ =	shalt  }
0x40: {  	_ =	shalt  }
0x41: {  	_ =	shalt  }
0x42: {  	_ =	shalt  }
0x43: {  	_ =	shalt  }
0x44: {  	_ =	shalt  }
0x45: {  	_ =	shalt  }
0x46: {  	_ =	shalt  }
0x47: {  	_ =	shalt  }
0x48: {  	_ =	shalt  }
0x49: {  	_ =	shalt  }
0x4a: {  	_ =	shalt  }
0x4b: {  	_ =	shalt  }
0x4c: {  	_ =	shalt  }
0x4d: {  	_ =	shalt  }
0x4e: {  	_ =	shalt  }
0x4f: {  	_ =	shalt  }
0x50: {  	_ =	shalt  }
0x51: {  	_ =	shalt  }
0x52: {  	_ =	shalt  }
0x53: {  	_ =	shalt  }
0x54: {  	_ =	shalt  }
0x55: {  	_ =	shalt  }
0x56: {  	_ =	shalt  }
0x57: {  	_ =	shalt  }
0x58: {  	_ =	shalt  }
0x59: {  	_ =	shalt  }
0x5a: {  	_ =	shalt  }
0x5b: {  	_ =	shalt  }
0x5c: {  	_ =	shalt  }
0x5d: {  	_ =	shalt  }
0x5e: {  	_ =	shalt  }
0x5f: {  	_ =	shalt  }
0x60: {  	_ =	shalt  }
0x61: {  	_ =	shalt  }
0x62: {  	_ =	shalt  }
0x63: {  	_ =	shalt  }
0x64: {  	_ =	shalt  }
0x65: {  	_ =	shalt  }
0x66: {  	_ =	shalt  }
0x67: {  	_ =	shalt  }
0x68: {  	_ =	shalt  }
0x69: {  	_ =	shalt  }
0x6a: {  	_ =	shalt  }
0x6b: {  	_ =	shalt  }
0x6c: {  	_ =	shalt  }
0x6d: {  	_ =	shalt  }
0x6e: {  	_ =	shalt  }
0x6f: {  	_ =	shalt  }
0x70: {  	_ =	shalt  }
0x71: {  	_ =	shalt  }
0x72: {  	_ =	shalt  }
0x73: {  	_ =	shalt  }
0x74: {  	_ =	shalt  }
0x75: {  	_ =	shalt  }
0x76: {  	_ =	shalt  }
0x77: {  	_ =	shalt  }
0x78: {  	_ =	shalt  }
0x79: {  	_ =	shalt  }
0x7a: {  	_ =	shalt  }
0x7b: {  	_ =	shalt  }
0x7c: {  	_ =	shalt  }
0x7d: {  	_ =	shalt  }
0x7e: {  	_ =	shalt  }
0x7f: {  	_ =	shalt  }
0x80: {  	_ =	shalt  }
0x81: {  	_ =	shalt  }
0x82: {  	_ =	shalt  }
0x83: {  	_ =	shalt  }
0x84: {  	_ =	shalt  }
0x85: {  	_ =	shalt  }
0x86: {  	_ =	shalt  }
0x87: {  	_ =	shalt  }
.Lfunc_end0:
.L_simem_size_0:
called_computation_lowered:
.L_overlay_start_0:
0x88: {  	s2 =	sld [smem:$0x3FD9]  }
0x89: {  	s3 =	sld [smem:$0x3FFE];
	_ =	sdelay $0x1  }
0x8a: {  	s1 =	srdreg.scid  }
0x8b: {  	s0 =	sand.u32 $0x1, s1  }
0x8c: {  	s15 =	sshll.u32 s0, $0xA;
	s2 =	sadd.s32 s3, s2  }
0x8d: {  	s2 =	sadd.s32 s2, s15  }
0x8e: {  	[smem:$0x3FC6] =	sst s2  }
0x8f: {  	_ = 	snop  }
0x90: {  	s2 =	sld [smem:$0x3FD0];
	_ =	sdelay $0x2  }
0x91: {  	s4 =	simm.s32 $0xA;
	s5 =	simm.s32 $0x10;
	s16 =	sld [smem:$0x3FC9]  }
0x92: {  	[smem:s5], [sflag:s4] =	dma.local [hbm:s2], $0x1  }
0x93: {  	_ =	swait.eq [sflag:s4], $0x1  }
0x94: {  	[sflag:s4] =	ssyncset.done $0x0  }
0x95: {  	[sflag:s4] =	ssyncadd.s32 $0xFFFFFFFF  }
0x96: {  	s17 =	sld [smem:$0x10];
	(tm) =	ssettm $0x1  }
0x97: {  	s18 =	sld [smem:$0x3FFB];
	_ =	sdelay $0x3  }
0x98: {  	_ =	strace s18  }
0x99: {  	s4 =	sld [smem:$0x3FFC];
	_ =	sdelay $0x3  }
0x9a: {  	_ =	strace s4  }
0x9b: {  	s4 =	sld [smem:$0x3FFD];
	_ =	sdelay $0x3  }
0x9c: {  	_ =	strace s4  }
0x9d: {  	_ =	strace $0x8FFFFFFF  }
0x9e: {  	s19 =	sld [smem:$0x3FDB];
	_ =	sdelay $0x1  }
0x9f: {  	s20 =	simm.s32 $_scs_section_size  }
0xa0: {  	s6 =	simm.s32 $_size__tile_overlayer_lowered;
	s7 =	simm.s32 $_tile_overlayer_lowered  }
0xa1: {  	s23 =	simm.s32 $0x1BFF;
	s22 =	sshll.u32 s7, $0x1;
	s4 =	sadd.s32 s20, s19  }
0xa2: {  	s8 =	simm.s32 $0x0;
	s21 =	sshll.u32 s6, $0x1;
	s6 =	sadd.s32 s22, s4  }
0xa3: {  	[timem:s8], [sflag:s23] =	dma.local [hbm:s6], s21  }
0xa4: {  	_ =	swait.ge [sflag:s23], s21  }
0xa5: {  	s5 =	ssub.s32 $0x0, s21;
	[sflag:s23] =	ssyncset.done $0x0  }
0xa6: {  	[sflag:s23] =	ssyncadd.s32 s5;
	_ =	sdelay $0x1  }
0xa7: {  	s24 =	simm.s32 $0x1B8B  }
0xa8: {  	_ =	swait.ge [sflag:s24], $0x1  }
0xa9: {  	[sflag:s24] =	ssyncset.done $0x0  }
0xaa: {  	s25 =	simm.s32 $0x1B8E;
	[sflag:s24] =	ssyncadd.s32 $0xFFFFFFFF  }
0xab: {  	s26 =	simm.s32 $execute0_lowered;
	[smem:$0x3FD2] =	sst s25  }
0xac: {  	s5 =	sshll.u32 s26, $0x1;
	_ =	strace $0x80000046;
	[dreg:$0x1] =	wrdreg $0xFFFFFFFF  }
0xad: {  	s28 =	simm.s32 $_size_execute0_lowered;
	s4 =	sadd.s32 s4, s5;
	[dreg:$0x0] =	wrdreg $0x0  }
0xae: {  	s5 =	sshll.u32 s28, $0x1;
	[dreg:$0x2] =	wrdreg s4  }
0xaf: {  	[dreg:$0x3] =	wrdreg s5  }
0xb0: {  	[dreg:$0x4] =	wrdreg $0xC0  }
0xb1: {  	_ =	task [dreg:s8], $0x5FFFF  }
0xb2: {  	[dreg:$0x1] =	wrdreg $0xFFFFFFFF  }
0xb3: {  	[dreg:$0x0] =	wrdreg $0x60  }
0xb4: {  	[dreg:$0x2] =	wrdreg s16  }
0xb5: {  	[dreg:$0x3] =	wrdreg s17  }
0xb6: {  	[dreg:$0x4] =	wrdreg $0x9  }
0xb7: {  	_ =	task.clear_ibuf [dreg:s8], $0x5FFFF;
	_ =	strace $0x90000046  }
0xb8: {  	s29 =	simm.s32 $0x9;
	_ =	strace $0x80000048  }
0xb9: {  	_ =	swait.ge [sflag:s29], $0x1  }
0xba: {  	[sflag:s29] =	ssyncadd.s32 $0xFFFFFFFF  }
0xbb: {  	_ =	strace $0x90000048  }
0xbc: {  	_ =	sfence  }
0xbd: {  	s30 =	sld [smem:$0x0];
	_ =	sdelay $0x2  }
0xbe: {  	s31 =	sshll.u32 s1, $0xD;
	s1 =	sshrl.u32 s1, $0x2  }
0xbf: {  	s3 =	sand.u32 $0x4000, s31;
	s1 =	sadd.s32 s1, s30  }
0xc0: {  	s0 =	sor.u32 s3, s0;
	s1 =	sshll.u32 s1, $0x11  }
0xc1: {  	s0 =	sor.u32 s1, s0  }
0xc2: {  	s0 =	sadd.s32 $0x8F2B, s0  }
0xc3: {  	[sflag:s0] =	ssyncadd.remote.s32 $0x1  }
0xc4: {  	_ =	sfence.sel $0xFFFF  }
0xc5: {  	[dreg:$0x0] =	wrdreg $0xFFFFFFFF;
	(pc) =	sbr.abs _section_cstart, $3  }
0xc6: {  	[dreg:$0x1] =	wrdreg $0xFFFFFFFF  }
0xc7: {  	_ =	task.clear_ibuf [dreg:s8], $0x2FFFF;
	_ =	strace $0x9FFFFFFF  }
0xc8: {  	(tm) =	ssettm $0x7FFFFFFF  }
0xc9: {  	_ =	shalt  }
tec
execute0_lowered:
.L_overlay_start_1:
0x0: {  	(tag) =	ssettag $0x1  }
0x1: {  	s2 =	rddreg [dreg:$0x0]  }
0x2: {  	s1 =	srdreg.scid;
	s0 =	stileid.u32  }
0x3: {  	s3 =	rddreg [dreg:$0x1];
	s5 =	sand.u32 $0x1, s1;
	s6 =	smul.u32 $0x1A, s0  }
0x4: {  	s4 =	simm.s32 $0x0;
	s7 =	sshll.u32 s0, $0x1;
	s8 =	smul.u32 $0xD, s5  }
0x5: {  	s1 =	rddreg [dreg:$0x2];
	s9 =	ssub.s32 $0x2, s5;
	s5 =	sor.u32 s5, s7  }
0x6: {  	[smem:$0x7FF] =	sst s4;
	s5 =	smax.u32 s5, $0x10;
	s6 =	sadd.s32 s8, s6  }
0x7: {  	p0 =	sgt.u32 s0, $0x7;
	s30 =	sshrl.u32 s9, $0x1;
	s6 =	ssub.s32 s6, s5  }
0x8: {  	_ =	strace $0x80000047;
	s7 =	ssub.s32 s9, s30;
	s31 =	smul.u32 $0x7D00, s6  }
0x9: {  	s8 =	simm.s32 $0x1;
	s9 =	simm.s32 $0x0;
	s5 =	simm.s32 $0xC  }
0xa: {  	s5 =	simm.s32 @!p0 $0xD;
	s6 =	smax.u32 s7, $0x1;
	s7 =	sadd.s32 $0x7D000, s31  }
.LBB2_1:
0xb: {  	p1 =	sne.s32 s5, $0x1  }
.Ltmp0:
0xc: {  	_ = 	snop;
	(pc) =	sbr.rel @!p1 .LBB2_4-.Ltmp0, $2  }
0xd: {  	_ =	sdelay $0x2  }
0xe: {  	s11 =	sadd.s32 $0xFFFFFFFF, s5;
	s10 =	sshrl.u32 s7, $0x3;
	p0 =	por $0x0, $0x0  }
0xf: {  	s12 =	sadd.s32 s2, s10  }
0x10: {  	[tilespmem:s4], [sflag:$0x1] =	stream.linear.gather [hbm4b:s12+s4], $0x7D00, $0x38;
	[tilespmem:$0x7D00] =	vst v63  }
0x11: {  	p1 =	sne.s32 s11, $0x1;
	_ =	swait.ge [sflag:s8], $0x7D00  }
.Ltmp1:
0x12: {  	[sflag:s8] =	ssyncset.done $0x0;
	(pc) =	sbr.rel @!p1 .LBB2_4-.Ltmp1, $4  }
0x13: {  	s31 =	sadd.s32 s3, s10;
	[sflag:s8] =	ssyncadd.s32 $0xFFFF8300  }
0x14: {  	[hbm4b:s31+s4] =	stream.linear.scatter [tilespmem:s4], [sflag:$0x1], $0x7D00, $0x38;
	[tilespmem:$0x7D00] =	vst v63  }
0x15: {  	s11 =	sadd.s32 $0xFFFFFFFF, s11;
	s12 =	sadd.s32 $0x7D00, s7;
	_ =	swait.ge [sflag:s8], $0x7D00  }
0x16: {  	p0 =	por $0x1, $0x1;
	s10 =	sshrl.u32 s12, $0x3;
	[sflag:s8] =	ssyncset.done $0x0  }
.LBB2_3:
0x17: {  	p1 =	sne.s32 s11, $0x1;
	s13 =	sadd.s32 s2, s10;
	[sflag:s8] =	ssyncadd.s32 $0xFFFF8300  }
0x18: {  	[tilespmem:s4], [sflag:$0x1] =	stream.linear.gather [hbm4b:s13+s4], $0x7D00, $0x38;
	[tilespmem:$0x7D00] =	vst v63  }
0x19: {  	s11 =	sadd.s32 $0xFFFFFFFF, s11;
	_ =	swait.ge [sflag:s8], $0x7D00  }
.Ltmp2:
0x1a: {  	[sflag:s8] =	ssyncset.done $0x0;
	(pc) =	sbr.rel @p1 .LBB2_3-.Ltmp2, $4  }
0x1b: {  	s10 =	sadd.s32 s3, s10;
	[sflag:s8] =	ssyncadd.s32 $0xFFFF8300  }
0x1c: {  	[hbm4b:s10+s4] =	stream.linear.scatter [tilespmem:s4], [sflag:$0x1], $0x7D00, $0x38;
	[tilespmem:$0x7D00] =	vst v63  }
0x1d: {  	s12 =	sadd.s32 $0x7D00, s12;
	_ =	swait.ge [sflag:s8], $0x7D00  }
0x1e: {  	s10 =	sshrl.u32 s12, $0x3;
	[sflag:s8] =	ssyncset.done $0x0  }
.LBB2_4:
0x1f: {  	s11 =	sadd.s32 s2, s10;
	[sflag:s8] =	ssyncadd.s32 @p0 $0xFFFF8300  }
0x20: {  	[tilespmem:s4], [sflag:$0x1] =	stream.linear.gather [hbm4b:s11+s4], $0x7D00, $0x38;
	[tilespmem:$0x7D00] =	vst v63  }
0x21: {  	s9 =	sadd.s32 $0x1, s9;
	_ =	swait.ge [sflag:s8], $0x7D00  }
0x22: {  	p0 =	sne.s32 s9, s6;
	[sflag:s8] =	ssyncset.done $0x0  }
.Ltmp3:
0x23: {  	s31 =	sadd.s32 s3, s10;
	[sflag:s8] =	ssyncadd.s32 $0xFFFF8300;
	(pc) =	sbr.rel @p0 .LBB2_1-.Ltmp3, $4  }
0x24: {  	[hbm4b:s31+s4] =	stream.linear.scatter [tilespmem:s4], [sflag:$0x1], $0x7D00, $0x38;
	[tilespmem:$0x7D00] =	vst v63  }
0x25: {  	_ =	swait.ge [sflag:s8], $0x7D00  }
0x26: {  	[sflag:s8] =	ssyncset.done $0x0  }
0x27: {  	[sflag:s8] =	ssyncadd.s32 $0xFFFF8300  }
0x28: {  	_ =	sfence.sel $0x180000  }
0x29: {  	[bflag:$0x0] =	sbarrier.arrive $0xFFFF  }
0x2a: {  	p0 =	sne.s32 s0, $0x0;
	_ =	strace $0x90000047  }
0x2b: {  	s0 =	sadd.s32 @!p0 $0x100000, s1;
	[bflag:$0x2] =	sbarrier.arrive $0xFFFF  }
0x2c: {  	[sflag:s0] =	ssyncadd.tile.s32 @!p0 $0x1;
	_ =	shalt  }
.Lfunc_end2:
_tile_overlayer_lowered:
.L_overlay_start_2:
0x2d: {  	(tag) =	ssettag $0x2  }
0x2e: {  	s0 =	rddreg [dreg:$0x0];
	s2 =	stileid.u32  }
0x2f: {  	s1 =	rddreg [dreg:$0x1];
	p0 =	sne.s32 s2, $0x0  }
0x30: {  	s3 =	rddreg [dreg:$0x2];
	[bflag:$0x3] =	sbarrier.arrive $0xFFFF;
	s2 =	simm.s32 @!p0 $0x1C01  }
0x31: {  	[timem:s3], [sflag:s2] =	dma.local @!p0 [hbm:s0], s1  }
0x32: {  	s0 =	simm.s32 @!p0 $0x1  }
0x33: {  	_ =	swait.ge @!p0 [sflag:s0], s1  }
0x34: {  	s1 =	ssub.s32 @!p0 $0x0, s1;
	[sflag:s0] =	ssyncset.done @!p0 $0x0  }
0x35: {  	[sflag:s0] =	ssyncadd.s32 @!p0 s1  }
0x36: {  	[bflag:$0x3] =	sbarrier.arrive $0xFFFF  }
0x37: {  	_ =	shalt  }

</sc_bundles>
